<compile_context>
chip_gen: v7x
topology: tpu7x:2x2x1
jax: 0.10.2.dev20260603
libtpu: 0.0.44.dev20260713+nightly
codegen_flags: <defaults>
</compile_context>

<pallas_src>
import functools

import jax
import jax.numpy as jnp
from jax import lax
from jax.experimental import pallas as pl
from jax.experimental.pallas import tpu as pltpu
from jax.experimental.pallas import tpu_sc as plsc

VOCAB = 100000
D = 128
B = 4096 * 200
NC, NS = 2, 16
NW = NC * NS
BPW = B // NW
CH = 128
NCH = BPW // CH
R = 5
L = 3

_mesh = plsc.VectorSubcoreMesh(core_axis_name="c", subcore_axis_name="s")


@functools.partial(
    pl.kernel,
    out_type=jax.ShapeDtypeStruct((B, D), jnp.float32),
    mesh=_mesh,
    scratch_types=[
        pltpu.VMEM((BPW,), jnp.int32),
        pltpu.VMEM((R * CH, D), jnp.float32),
        pltpu.SemaphoreType.DMA((R,)),
        pltpu.SemaphoreType.DMA((R,)),
    ],
)
def _emb_lookup(idx_hbm, table_hbm, out_hbm, idx_v, rows, gsem, psem):
    wid = lax.axis_index("s") * NC + lax.axis_index("c")
    base = wid * BPW
    pltpu.sync_copy(idx_hbm.at[pl.ds(base, BPW)], idx_v)

    def gather(j, b):
        return pltpu.make_async_copy(
            table_hbm.at[idx_v.at[pl.ds(j * CH, CH)]],
            rows.at[pl.ds(b * CH, CH)], gsem.at[b])

    def put(j, b):
        return pltpu.make_async_copy(
            rows.at[pl.ds(b * CH, CH)],
            out_hbm.at[pl.ds(base + j * CH, CH)], psem.at[b])

    for u in range(L):
        gather(u, u).start()

    def step(i, _):
        for u in range(R):
            j = i * R + u
            gather(j, u).wait()
            put(j, u).start()
            jf = j + L
            bf = (u + L) % R

            @pl.when(jf - R >= 0)
            def _():
                put(jf - R, bf).wait()

            @pl.when(jf < NCH)
            def _():
                gather(jf, bf).start()
        return ()

    lax.fori_loop(0, NCH // R, step, ())
    for j in range(NCH - (R - L), NCH):
        put(j, j % R).wait()


def kernel(x, table):
    idx = x.reshape(B)
    out = _emb_lookup(idx, table)
    return out.reshape(x.shape[0], x.shape[1], D)

# --- scband reference (transcript-rebuilt; emitter-appended) ---
"""Pipeline reference for scband-embedder-18124761989182 (READ-ONLY COPY).

The authoritative reference and input builder live on the scoring server;
editing this copy changes nothing except your own understanding.
"""

import jax, jax.numpy as jnp
import numpy as np

VOCAB = 100000
EMBED_DIM = 128
BATCH = 4096
HIST = 200

def setup_inputs(seed: int = 0) -> dict:
    key = jax.random.key(seed)
    k1, k2 = jax.random.split(key)
    x = jax.random.randint(k1, (BATCH, HIST), 0, VOCAB, dtype=jnp.int64 if jax.config.read('jax_enable_x64') else jnp.int32)
    table = jax.random.normal(k2, (VOCAB, EMBED_DIM), dtype=jnp.float32)
    # padding_idx=1: nn.Embedding initializes the padding row to zeros
    table = table.at[1].set(0.0)
    return {"x": x, "table": table}

def reference(x, table):
    # Embedder.forward with use_tfidf=False: embedding lookup with padding_idx=1
    return jnp.take(table, x, axis=0)

if __name__ == "__main__":
    import jax
    _d = setup_inputs()
    print(jax.jit(kernel)(*tuple(_d.values())))

</pallas_src>

<mosaic_0001>
#map = affine_map<(d0, d1) -> (0)>
#map1 = affine_map<(d0, d1) -> (0, 0)>
module attributes {stable_mosaic.version = 14 : i64} {
  func.func @_emb_lookup(%arg0: i32, %arg1: i32, %arg2: memref<819200xi32, #tpu.memory_space<hbm>>, %arg3: memref<100000x128xf32, #tpu.memory_space<hbm>>, %arg4: memref<819200x128xf32, #tpu.memory_space<hbm>>, %arg5: memref<25600xi32, #tpu.memory_space<vmem>>, %arg6: memref<640x128xf32, #tpu.memory_space<vmem>>, %arg7: memref<5x!tpu.dma_semaphore, #tpu.memory_space<semaphore_mem>>, %arg8: memref<5x!tpu.dma_semaphore, #tpu.memory_space<semaphore_mem>>) attributes {dimension_semantics = [#tpu.dimension_semantics<core_parallel>, #tpu.dimension_semantics<subcore_parallel>], iteration_bounds = array<i64: 2, 16>, scalar_prefetch = 0 : i64, scratch_operands = 4 : i64, tpu.core_type = #tpu.core_type<sc_vector_subcore>, window_params = [{transform_indices = #map}, {transform_indices = #map1}, {transform_indices = #map1}]} {
    %mul3A = arith.constant 2 : i32
    %mul3A_0 = arith.muli %arg1, %mul3A : i32
    %add3A = arith.addi %mul3A_0, %arg0 : i32
    %mul3A_1 = arith.constant 25600 : i32
    %mul3A_2 = arith.muli %add3A, %mul3A_1 : i32
    "tpu.region"() ({
      %run_scoped3A = tpu.sem_alloc : memref<!tpu.dma_semaphore, #tpu.memory_space<semaphore_mem>>
      %dma_start3A_68 = tpu.memref_slice %arg2[%mul3A_2] : memref<819200xi32, #tpu.memory_space<hbm>> -> memref<25600xi32, #tpu.memory_space<hbm>>
      %dma_start3A_69 = tpu.memref_slice %arg2[%mul3A_2] : memref<819200xi32, #tpu.memory_space<hbm>> -> memref<25600xi32, #tpu.memory_space<hbm>>
      tpu.enqueue_dma source(%dma_start3A_69 : memref<25600xi32, #tpu.memory_space<hbm>>) target(%arg5 : memref<25600xi32, #tpu.memory_space<vmem>>) target_semaphore(%run_scoped3A : memref<!tpu.dma_semaphore, #tpu.memory_space<semaphore_mem>>)
      %dma_wait3A_70 = tpu.memref_slice %arg2[%mul3A_2] : memref<819200xi32, #tpu.memory_space<hbm>> -> memref<25600xi32, #tpu.memory_space<hbm>>
      %dma_wait3A_71 = tpu.memref_slice %arg2[%mul3A_2] : memref<819200xi32, #tpu.memory_space<hbm>> -> memref<25600xi32, #tpu.memory_space<hbm>>
      tpu.wait_dma2 semaphore(%run_scoped3A : memref<!tpu.dma_semaphore, #tpu.memory_space<semaphore_mem>>) src(%dma_wait3A_71 : memref<25600xi32, #tpu.memory_space<hbm>>) dst(%arg5 : memref<25600xi32, #tpu.memory_space<vmem>>)
      tpu.yield
    }) : () -> ()
    %dma_start3A = arith.constant 0 : i32
    %dma_start3A_3 = arith.constant 0 : i32
    %dma_start3A_4 = arith.constant 0 : i32
    %dma_start3A_5 = tpu.memref_slice %arg6[%dma_start3A_3, %dma_start3A_4] : memref<640x128xf32, #tpu.memory_space<vmem>> -> memref<128x128xf32, #tpu.memory_space<vmem>>
    %dma_start3A_6 = arith.constant 0 : i32
    %dma_start3A_7 = tpu.memref_slice %arg5[%dma_start3A_6] : memref<25600xi32, #tpu.memory_space<vmem>> -> memref<128xi32, #tpu.memory_space<vmem>>
    %dma_start3A_8 = arith.constant 0 : i32
    %dma_start3A_9 = arith.constant 0 : i32
    %dma_start3A_10 = tpu.memref_slice %arg3[%dma_start3A_8, %dma_start3A_9] : memref<100000x128xf32, #tpu.memory_space<hbm>> -> memref<100000x128xf32, #tpu.memory_space<hbm>>
    %dma_start3A_11 = tpu.memref_slice %arg7[%dma_start3A] : memref<5x!tpu.dma_semaphore, #tpu.memory_space<semaphore_mem>> -> memref<1x!tpu.dma_semaphore, #tpu.memory_space<semaphore_mem>>
    %dma_start3A_12 = tpu.memref_squeeze %dma_start3A_11 : memref<1x!tpu.dma_semaphore, #tpu.memory_space<semaphore_mem>> -> memref<!tpu.dma_semaphore, #tpu.memory_space<semaphore_mem>>
    tpu.enqueue_indirect_dma source(%dma_start3A_10 : memref<100000x128xf32, #tpu.memory_space<hbm>>) target(%dma_start3A_5 : memref<128x128xf32, #tpu.memory_space<vmem>>) offsets(%dma_start3A_7 : memref<128xi32, #tpu.memory_space<vmem>>) semaphore(%dma_start3A_12 : memref<!tpu.dma_semaphore, #tpu.memory_space<semaphore_mem>>)
    %dma_start3A_13 = arith.constant 1 : i32
    %dma_start3A_14 = arith.constant 128 : i32
    %dma_start3A_15 = arith.constant 0 : i32
    %dma_start3A_16 = tpu.memref_slice %arg6[%dma_start3A_14, %dma_start3A_15] : memref<640x128xf32, #tpu.memory_space<vmem>> -> memref<128x128xf32, #tpu.memory_space<vmem>>
    %dma_start3A_17 = arith.constant 128 : i32
    %dma_start3A_18 = tpu.memref_slice %arg5[%dma_start3A_17] : memref<25600xi32, #tpu.memory_space<vmem>> -> memref<128xi32, #tpu.memory_space<vmem>>
    %dma_start3A_19 = arith.constant 0 : i32
    %dma_start3A_20 = arith.constant 0 : i32
    %dma_start3A_21 = tpu.memref_slice %arg3[%dma_start3A_19, %dma_start3A_20] : memref<100000x128xf32, #tpu.memory_space<hbm>> -> memref<100000x128xf32, #tpu.memory_space<hbm>>
    %dma_start3A_22 = tpu.memref_slice %arg7[%dma_start3A_13] : memref<5x!tpu.dma_semaphore, #tpu.memory_space<semaphore_mem>> -> memref<1x!tpu.dma_semaphore, #tpu.memory_space<semaphore_mem>>
    %dma_start3A_23 = tpu.memref_squeeze %dma_start3A_22 : memref<1x!tpu.dma_semaphore, #tpu.memory_space<semaphore_mem>> -> memref<!tpu.dma_semaphore, #tpu.memory_space<semaphore_mem>>
    tpu.enqueue_indirect_dma source(%dma_start3A_21 : memref<100000x128xf32, #tpu.memory_space<hbm>>) target(%dma_start3A_16 : memref<128x128xf32, #tpu.memory_space<vmem>>) offsets(%dma_start3A_18 : memref<128xi32, #tpu.memory_space<vmem>>) semaphore(%dma_start3A_23 : memref<!tpu.dma_semaphore, #tpu.memory_space<semaphore_mem>>)
    %dma_start3A_24 = arith.constant 2 : i32
    %dma_start3A_25 = arith.constant 256 : i32
    %dma_start3A_26 = arith.constant 0 : i32
    %dma_start3A_27 = tpu.memref_slice %arg6[%dma_start3A_25, %dma_start3A_26] : memref<640x128xf32, #tpu.memory_space<vmem>> -> memref<128x128xf32, #tpu.memory_space<vmem>>
    %dma_start3A_28 = arith.constant 256 : i32
    %dma_start3A_29 = tpu.memref_slice %arg5[%dma_start3A_28] : memref<25600xi32, #tpu.memory_space<vmem>> -> memref<128xi32, #tpu.memory_space<vmem>>
    %dma_start3A_30 = arith.constant 0 : i32
    %dma_start3A_31 = arith.constant 0 : i32
    %dma_start3A_32 = tpu.memref_slice %arg3[%dma_start3A_30, %dma_start3A_31] : memref<100000x128xf32, #tpu.memory_space<hbm>> -> memref<100000x128xf32, #tpu.memory_space<hbm>>
    %dma_start3A_33 = tpu.memref_slice %arg7[%dma_start3A_24] : memref<5x!tpu.dma_semaphore, #tpu.memory_space<semaphore_mem>> -> memref<1x!tpu.dma_semaphore, #tpu.memory_space<semaphore_mem>>
    %dma_start3A_34 = tpu.memref_squeeze %dma_start3A_33 : memref<1x!tpu.dma_semaphore, #tpu.memory_space<semaphore_mem>> -> memref<!tpu.dma_semaphore, #tpu.memory_space<semaphore_mem>>
    tpu.enqueue_indirect_dma source(%dma_start3A_32 : memref<100000x128xf32, #tpu.memory_space<hbm>>) target(%dma_start3A_27 : memref<128x128xf32, #tpu.memory_space<vmem>>) offsets(%dma_start3A_29 : memref<128xi32, #tpu.memory_space<vmem>>) semaphore(%dma_start3A_34 : memref<!tpu.dma_semaphore, #tpu.memory_space<semaphore_mem>>)
    %scan3A = arith.constant 0 : i32
    %scan3A_35 = arith.constant 40 : i32
    %scan3A_36 = arith.addi %scan3A, %scan3A_35 : i32
    %scan3A_37 = arith.constant 1 : i32
    scf.for %scan3A_68 = %scan3A to %scan3A_36 step %scan3A_37  : i32 {
      %mul3A_69 = arith.constant 5 : i32
      %mul3A_70 = arith.muli %scan3A_68, %mul3A_69 : i32
      %add3A_71 = arith.constant 0 : i32
      %add3A_72 = arith.addi %mul3A_70, %add3A_71 : i32
      %mul3A_73 = arith.constant 128 : i32
      %mul3A_74 = arith.muli %add3A_72, %mul3A_73 : i32
      %dma_wait3A_75 = arith.constant 0 : i32
      %dma_wait3A_76 = arith.constant 0 : i32
      %dma_wait3A_77 = arith.constant 0 : i32
      %dma_wait3A_78 = tpu.memref_slice %arg6[%dma_wait3A_76, %dma_wait3A_77] : memref<640x128xf32, #tpu.memory_space<vmem>> -> memref<128x128xf32, #tpu.memory_space<vmem>>
      %dma_wait3A_79 = tpu.memref_slice %arg5[%mul3A_74] : memref<25600xi32, #tpu.memory_space<vmem>> -> memref<128xi32, #tpu.memory_space<vmem>>
      %dma_wait3A_80 = arith.constant 0 : i32
      %dma_wait3A_81 = arith.constant 0 : i32
      %dma_wait3A_82 = tpu.memref_slice %arg3[%dma_wait3A_80, %dma_wait3A_81] : memref<100000x128xf32, #tpu.memory_space<hbm>> -> memref<100000x128xf32, #tpu.memory_space<hbm>>
      %dma_wait3A_83 = tpu.memref_slice %arg7[%dma_wait3A_75] : memref<5x!tpu.dma_semaphore, #tpu.memory_space<semaphore_mem>> -> memref<1x!tpu.dma_semaphore, #tpu.memory_space<semaphore_mem>>
      %dma_wait3A_84 = tpu.memref_squeeze %dma_wait3A_83 : memref<1x!tpu.dma_semaphore, #tpu.memory_space<semaphore_mem>> -> memref<!tpu.dma_semaphore, #tpu.memory_space<semaphore_mem>>
      tpu.wait_indirect_dma semaphore(%dma_wait3A_84 : memref<!tpu.dma_semaphore, #tpu.memory_space<semaphore_mem>>) src(%dma_wait3A_82 : memref<100000x128xf32, #tpu.memory_space<hbm>>) dst(%dma_wait3A_78 : memref<128x128xf32, #tpu.memory_space<vmem>>)
      %mul3A_85 = arith.constant 128 : i32
      %mul3A_86 = arith.muli %add3A_72, %mul3A_85 : i32
      %add3A_87 = arith.addi %mul3A_2, %mul3A_86 : i32
      %dma_start3A_88 = arith.constant 0 : i32
      %dma_start3A_89 = arith.constant 0 : i32
      %dma_start3A_90 = arith.constant 0 : i32
      %dma_start3A_91 = tpu.memref_slice %arg6[%dma_start3A_89, %dma_start3A_90] : memref<640x128xf32, #tpu.memory_space<vmem>> -> memref<128x128xf32, #tpu.memory_space<vmem>>
      %dma_start3A_92 = arith.constant 0 : i32
      %dma_start3A_93 = tpu.memref_slice %arg4[%add3A_87, %dma_start3A_92] : memref<819200x128xf32, #tpu.memory_space<hbm>> -> memref<128x128xf32, #tpu.memory_space<hbm>>
      %dma_start3A_94 = tpu.memref_slice %arg8[%dma_start3A_88] : memref<5x!tpu.dma_semaphore, #tpu.memory_space<semaphore_mem>> -> memref<1x!tpu.dma_semaphore, #tpu.memory_space<semaphore_mem>>
      %dma_start3A_95 = tpu.memref_squeeze %dma_start3A_94 : memref<1x!tpu.dma_semaphore, #tpu.memory_space<semaphore_mem>> -> memref<!tpu.dma_semaphore, #tpu.memory_space<semaphore_mem>>
      %dma_start3A_96 = arith.constant 0 : i32
      %dma_start3A_97 = tpu.memref_slice %arg4[%add3A_87, %dma_start3A_96] : memref<819200x128xf32, #tpu.memory_space<hbm>> -> memref<128x128xf32, #tpu.memory_space<hbm>>
      %dma_start3A_98 = arith.constant 0 : i32
      %dma_start3A_99 = arith.constant 0 : i32
      %dma_start3A_100 = tpu.memref_slice %arg6[%dma_start3A_98, %dma_start3A_99] : memref<640x128xf32, #tpu.memory_space<vmem>> -> memref<128x128xf32, #tpu.memory_space<vmem>>
      tpu.enqueue_dma source(%dma_start3A_100 : memref<128x128xf32, #tpu.memory_space<vmem>>) target(%dma_start3A_97 : memref<128x128xf32, #tpu.memory_space<hbm>>) target_semaphore(%dma_start3A_95 : memref<!tpu.dma_semaphore, #tpu.memory_space<semaphore_mem>>)
      %add3A_101 = arith.constant 3 : i32
      %add3A_102 = arith.addi %add3A_72, %add3A_101 : i32
      %sub3A = arith.constant 5 : i32
      %sub3A_103 = arith.subi %add3A_102, %sub3A : i32
      %ge3A = arith.constant 0 : i32
      %ge3A_104 = arith.cmpi sge, %sub3A_103, %ge3A : i32
      %convert_element_type3A = arith.extui %ge3A_104 : i1 to i32
      %cond3A = arith.constant 0 : i32
      %cond3A_105 = arith.cmpi ne, %convert_element_type3A, %cond3A : i32
      scf.if %cond3A_105 {
        %sub3A_294 = arith.constant 5 : i32
        %sub3A_295 = arith.subi %add3A_102, %sub3A_294 : i32
        %mul3A_296 = arith.constant 128 : i32
        %mul3A_297 = arith.muli %sub3A_295, %mul3A_296 : i32
        %add3A_298 = arith.addi %mul3A_2, %mul3A_297 : i32
        %dma_wait3A_299 = arith.constant 3 : i32
        %dma_wait3A_300 = arith.constant 384 : i32
        %dma_wait3A_301 = arith.constant 0 : i32
        %dma_wait3A_302 = tpu.memref_slice %arg6[%dma_wait3A_300, %dma_wait3A_301] : memref<640x128xf32, #tpu.memory_space<vmem>> -> memref<128x128xf32, #tpu.memory_space<vmem>>
        %dma_wait3A_303 = arith.constant 0 : i32
        %dma_wait3A_304 = tpu.memref_slice %arg4[%add3A_298, %dma_wait3A_303] : memref<819200x128xf32, #tpu.memory_space<hbm>> -> memref<128x128xf32, #tpu.memory_space<hbm>>
        %dma_wait3A_305 = tpu.memref_slice %arg8[%dma_wait3A_299] : memref<5x!tpu.dma_semaphore, #tpu.memory_space<semaphore_mem>> -> memref<1x!tpu.dma_semaphore, #tpu.memory_space<semaphore_mem>>
        %dma_wait3A_306 = tpu.memref_squeeze %dma_wait3A_305 : memref<1x!tpu.dma_semaphore, #tpu.memory_space<semaphore_mem>> -> memref<!tpu.dma_semaphore, #tpu.memory_space<semaphore_mem>>
        %dma_wait3A_307 = arith.constant 0 : i32
        %dma_wait3A_308 = tpu.memref_slice %arg4[%add3A_298, %dma_wait3A_307] : memref<819200x128xf32, #tpu.memory_space<hbm>> -> memref<128x128xf32, #tpu.memory_space<hbm>>
        %dma_wait3A_309 = arith.constant 384 : i32
        %dma_wait3A_310 = arith.constant 0 : i32
        %dma_wait3A_311 = tpu.memref_slice %arg6[%dma_wait3A_309, %dma_wait3A_310] : memref<640x128xf32, #tpu.memory_space<vmem>> -> memref<128x128xf32, #tpu.memory_space<vmem>>
        tpu.wait_dma2 semaphore(%dma_wait3A_306 : memref<!tpu.dma_semaphore, #tpu.memory_space<semaphore_mem>>) src(%dma_wait3A_311 : memref<128x128xf32, #tpu.memory_space<vmem>>) dst(%dma_wait3A_308 : memref<128x128xf32, #tpu.memory_space<hbm>>)
      } else {
      }
      %lt3A = arith.constant 200 : i32
      %lt3A_106 = arith.cmpi slt, %add3A_102, %lt3A : i32
      %convert_element_type3A_107 = arith.extui %lt3A_106 : i1 to i32
      %cond3A_108 = arith.constant 0 : i32
      %cond3A_109 = arith.cmpi ne, %convert_element_type3A_107, %cond3A_108 : i32
      scf.if %cond3A_109 {
        %mul3A_294 = arith.constant 128 : i32
        %mul3A_295 = arith.muli %add3A_102, %mul3A_294 : i32
        %dma_start3A_296 = arith.constant 3 : i32
        %dma_start3A_297 = arith.constant 384 : i32
        %dma_start3A_298 = arith.constant 0 : i32
        %dma_start3A_299 = tpu.memref_slice %arg6[%dma_start3A_297, %dma_start3A_298] : memref<640x128xf32, #tpu.memory_space<vmem>> -> memref<128x128xf32, #tpu.memory_space<vmem>>
        %dma_start3A_300 = tpu.memref_slice %arg5[%mul3A_295] : memref<25600xi32, #tpu.memory_space<vmem>> -> memref<128xi32, #tpu.memory_space<vmem>>
        %dma_start3A_301 = arith.constant 0 : i32
        %dma_start3A_302 = arith.constant 0 : i32
        %dma_start3A_303 = tpu.memref_slice %arg3[%dma_start3A_301, %dma_start3A_302] : memref<100000x128xf32, #tpu.memory_space<hbm>> -> memref<100000x128xf32, #tpu.memory_space<hbm>>
        %dma_start3A_304 = tpu.memref_slice %arg7[%dma_start3A_296] : memref<5x!tpu.dma_semaphore, #tpu.memory_space<semaphore_mem>> -> memref<1x!tpu.dma_semaphore, #tpu.memory_space<semaphore_mem>>
        %dma_start3A_305 = tpu.memref_squeeze %dma_start3A_304 : memref<1x!tpu.dma_semaphore, #tpu.memory_space<semaphore_mem>> -> memref<!tpu.dma_semaphore, #tpu.memory_space<semaphore_mem>>
        tpu.enqueue_indirect_dma source(%dma_start3A_303 : memref<100000x128xf32, #tpu.memory_space<hbm>>) target(%dma_start3A_299 : memref<128x128xf32, #tpu.memory_space<vmem>>) offsets(%dma_start3A_300 : memref<128xi32, #tpu.memory_space<vmem>>) semaphore(%dma_start3A_305 : memref<!tpu.dma_semaphore, #tpu.memory_space<semaphore_mem>>)
      } else {
      }
      %mul3A_110 = arith.constant 5 : i32
      %mul3A_111 = arith.muli %scan3A_68, %mul3A_110 : i32
      %add3A_112 = arith.constant 1 : i32
      %add3A_113 = arith.addi %mul3A_111, %add3A_112 : i32
      %mul3A_114 = arith.constant 128 : i32
      %mul3A_115 = arith.muli %add3A_113, %mul3A_114 : i32
      %dma_wait3A_116 = arith.constant 1 : i32
      %dma_wait3A_117 = arith.constant 128 : i32
      %dma_wait3A_118 = arith.constant 0 : i32
      %dma_wait3A_119 = tpu.memref_slice %arg6[%dma_wait3A_117, %dma_wait3A_118] : memref<640x128xf32, #tpu.memory_space<vmem>> -> memref<128x128xf32, #tpu.memory_space<vmem>>
      %dma_wait3A_120 = tpu.memref_slice %arg5[%mul3A_115] : memref<25600xi32, #tpu.memory_space<vmem>> -> memref<128xi32, #tpu.memory_space<vmem>>
      %dma_wait3A_121 = arith.constant 0 : i32
      %dma_wait3A_122 = arith.constant 0 : i32
      %dma_wait3A_123 = tpu.memref_slice %arg3[%dma_wait3A_121, %dma_wait3A_122] : memref<100000x128xf32, #tpu.memory_space<hbm>> -> memref<100000x128xf32, #tpu.memory_space<hbm>>
      %dma_wait3A_124 = tpu.memref_slice %arg7[%dma_wait3A_116] : memref<5x!tpu.dma_semaphore, #tpu.memory_space<semaphore_mem>> -> memref<1x!tpu.dma_semaphore, #tpu.memory_space<semaphore_mem>>
      %dma_wait3A_125 = tpu.memref_squeeze %dma_wait3A_124 : memref<1x!tpu.dma_semaphore, #tpu.memory_space<semaphore_mem>> -> memref<!tpu.dma_semaphore, #tpu.memory_space<semaphore_mem>>
      tpu.wait_indirect_dma semaphore(%dma_wait3A_125 : memref<!tpu.dma_semaphore, #tpu.memory_space<semaphore_mem>>) src(%dma_wait3A_123 : memref<100000x128xf32, #tpu.memory_space<hbm>>) dst(%dma_wait3A_119 : memref<128x128xf32, #tpu.memory_space<vmem>>)
      %mul3A_126 = arith.constant 128 : i32
      %mul3A_127 = arith.muli %add3A_113, %mul3A_126 : i32
      %add3A_128 = arith.addi %mul3A_2, %mul3A_127 : i32
      %dma_start3A_129 = arith.constant 1 : i32
      %dma_start3A_130 = arith.constant 128 : i32
      %dma_start3A_131 = arith.constant 0 : i32
      %dma_start3A_132 = tpu.memref_slice %arg6[%dma_start3A_130, %dma_start3A_131] : memref<640x128xf32, #tpu.memory_space<vmem>> -> memref<128x128xf32, #tpu.memory_space<vmem>>
      %dma_start3A_133 = arith.constant 0 : i32
      %dma_start3A_134 = tpu.memref_slice %arg4[%add3A_128, %dma_start3A_133] : memref<819200x128xf32, #tpu.memory_space<hbm>> -> memref<128x128xf32, #tpu.memory_space<hbm>>
      %dma_start3A_135 = tpu.memref_slice %arg8[%dma_start3A_129] : memref<5x!tpu.dma_semaphore, #tpu.memory_space<semaphore_mem>> -> memref<1x!tpu.dma_semaphore, #tpu.memory_space<semaphore_mem>>
      %dma_start3A_136 = tpu.memref_squeeze %dma_start3A_135 : memref<1x!tpu.dma_semaphore, #tpu.memory_space<semaphore_mem>> -> memref<!tpu.dma_semaphore, #tpu.memory_space<semaphore_mem>>
      %dma_start3A_137 = arith.constant 0 : i32
      %dma_start3A_138 = tpu.memref_slice %arg4[%add3A_128, %dma_start3A_137] : memref<819200x128xf32, #tpu.memory_space<hbm>> -> memref<128x128xf32, #tpu.memory_space<hbm>>
      %dma_start3A_139 = arith.constant 128 : i32
      %dma_start3A_140 = arith.constant 0 : i32
      %dma_start3A_141 = tpu.memref_slice %arg6[%dma_start3A_139, %dma_start3A_140] : memref<640x128xf32, #tpu.memory_space<vmem>> -> memref<128x128xf32, #tpu.memory_space<vmem>>
      tpu.enqueue_dma source(%dma_start3A_141 : memref<128x128xf32, #tpu.memory_space<vmem>>) target(%dma_start3A_138 : memref<128x128xf32, #tpu.memory_space<hbm>>) target_semaphore(%dma_start3A_136 : memref<!tpu.dma_semaphore, #tpu.memory_space<semaphore_mem>>)
      %add3A_142 = arith.constant 3 : i32
      %add3A_143 = arith.addi %add3A_113, %add3A_142 : i32
      %sub3A_144 = arith.constant 5 : i32
      %sub3A_145 = arith.subi %add3A_143, %sub3A_144 : i32
      %ge3A_146 = arith.constant 0 : i32
      %ge3A_147 = arith.cmpi sge, %sub3A_145, %ge3A_146 : i32
      %convert_element_type3A_148 = arith.extui %ge3A_147 : i1 to i32
      %cond3A_149 = arith.constant 0 : i32
      %cond3A_150 = arith.cmpi ne, %convert_element_type3A_148, %cond3A_149 : i32
      scf.if %cond3A_150 {
        %sub3A_294 = arith.constant 5 : i32
        %sub3A_295 = arith.subi %add3A_143, %sub3A_294 : i32
        %mul3A_296 = arith.constant 128 : i32
        %mul3A_297 = arith.muli %sub3A_295, %mul3A_296 : i32
        %add3A_298 = arith.addi %mul3A_2, %mul3A_297 : i32
        %dma_wait3A_299 = arith.constant 4 : i32
        %dma_wait3A_300 = arith.constant 512 : i32
        %dma_wait3A_301 = arith.constant 0 : i32
        %dma_wait3A_302 = tpu.memref_slice %arg6[%dma_wait3A_300, %dma_wait3A_301] : memref<640x128xf32, #tpu.memory_space<vmem>> -> memref<128x128xf32, #tpu.memory_space<vmem>>
        %dma_wait3A_303 = arith.constant 0 : i32
        %dma_wait3A_304 = tpu.memref_slice %arg4[%add3A_298, %dma_wait3A_303] : memref<819200x128xf32, #tpu.memory_space<hbm>> -> memref<128x128xf32, #tpu.memory_space<hbm>>
        %dma_wait3A_305 = tpu.memref_slice %arg8[%dma_wait3A_299] : memref<5x!tpu.dma_semaphore, #tpu.memory_space<semaphore_mem>> -> memref<1x!tpu.dma_semaphore, #tpu.memory_space<semaphore_mem>>
        %dma_wait3A_306 = tpu.memref_squeeze %dma_wait3A_305 : memref<1x!tpu.dma_semaphore, #tpu.memory_space<semaphore_mem>> -> memref<!tpu.dma_semaphore, #tpu.memory_space<semaphore_mem>>
        %dma_wait3A_307 = arith.constant 0 : i32
        %dma_wait3A_308 = tpu.memref_slice %arg4[%add3A_298, %dma_wait3A_307] : memref<819200x128xf32, #tpu.memory_space<hbm>> -> memref<128x128xf32, #tpu.memory_space<hbm>>
        %dma_wait3A_309 = arith.constant 512 : i32
        %dma_wait3A_310 = arith.constant 0 : i32
        %dma_wait3A_311 = tpu.memref_slice %arg6[%dma_wait3A_309, %dma_wait3A_310] : memref<640x128xf32, #tpu.memory_space<vmem>> -> memref<128x128xf32, #tpu.memory_space<vmem>>
        tpu.wait_dma2 semaphore(%dma_wait3A_306 : memref<!tpu.dma_semaphore, #tpu.memory_space<semaphore_mem>>) src(%dma_wait3A_311 : memref<128x128xf32, #tpu.memory_space<vmem>>) dst(%dma_wait3A_308 : memref<128x128xf32, #tpu.memory_space<hbm>>)
      } else {
      }
      %lt3A_151 = arith.constant 200 : i32
      %lt3A_152 = arith.cmpi slt, %add3A_143, %lt3A_151 : i32
      %convert_element_type3A_153 = arith.extui %lt3A_152 : i1 to i32
      %cond3A_154 = arith.constant 0 : i32
      %cond3A_155 = arith.cmpi ne, %convert_element_type3A_153, %cond3A_154 : i32
      scf.if %cond3A_155 {
        %mul3A_294 = arith.constant 128 : i32
        %mul3A_295 = arith.muli %add3A_143, %mul3A_294 : i32
        %dma_start3A_296 = arith.constant 4 : i32
        %dma_start3A_297 = arith.constant 512 : i32
        %dma_start3A_298 = arith.constant 0 : i32
        %dma_start3A_299 = tpu.memref_slice %arg6[%dma_start3A_297, %dma_start3A_298] : memref<640x128xf32, #tpu.memory_space<vmem>> -> memref<128x128xf32, #tpu.memory_space<vmem>>
        %dma_start3A_300 = tpu.memref_slice %arg5[%mul3A_295] : memref<25600xi32, #tpu.memory_space<vmem>> -> memref<128xi32, #tpu.memory_space<vmem>>
        %dma_start3A_301 = arith.constant 0 : i32
        %dma_start3A_302 = arith.constant 0 : i32
        %dma_start3A_303 = tpu.memref_slice %arg3[%dma_start3A_301, %dma_start3A_302] : memref<100000x128xf32, #tpu.memory_space<hbm>> -> memref<100000x128xf32, #tpu.memory_space<hbm>>
        %dma_start3A_304 = tpu.memref_slice %arg7[%dma_start3A_296] : memref<5x!tpu.dma_semaphore, #tpu.memory_space<semaphore_mem>> -> memref<1x!tpu.dma_semaphore, #tpu.memory_space<semaphore_mem>>
        %dma_start3A_305 = tpu.memref_squeeze %dma_start3A_304 : memref<1x!tpu.dma_semaphore, #tpu.memory_space<semaphore_mem>> -> memref<!tpu.dma_semaphore, #tpu.memory_space<semaphore_mem>>
        tpu.enqueue_indirect_dma source(%dma_start3A_303 : memref<100000x128xf32, #tpu.memory_space<hbm>>) target(%dma_start3A_299 : memref<128x128xf32, #tpu.memory_space<vmem>>) offsets(%dma_start3A_300 : memref<128xi32, #tpu.memory_space<vmem>>) semaphore(%dma_start3A_305 : memref<!tpu.dma_semaphore, #tpu.memory_space<semaphore_mem>>)
      } else {
      }
      %mul3A_156 = arith.constant 5 : i32
      %mul3A_157 = arith.muli %scan3A_68, %mul3A_156 : i32
      %add3A_158 = arith.constant 2 : i32
      %add3A_159 = arith.addi %mul3A_157, %add3A_158 : i32
      %mul3A_160 = arith.constant 128 : i32
      %mul3A_161 = arith.muli %add3A_159, %mul3A_160 : i32
      %dma_wait3A_162 = arith.constant 2 : i32
      %dma_wait3A_163 = arith.constant 256 : i32
      %dma_wait3A_164 = arith.constant 0 : i32
      %dma_wait3A_165 = tpu.memref_slice %arg6[%dma_wait3A_163, %dma_wait3A_164] : memref<640x128xf32, #tpu.memory_space<vmem>> -> memref<128x128xf32, #tpu.memory_space<vmem>>
      %dma_wait3A_166 = tpu.memref_slice %arg5[%mul3A_161] : memref<25600xi32, #tpu.memory_space<vmem>> -> memref<128xi32, #tpu.memory_space<vmem>>
      %dma_wait3A_167 = arith.constant 0 : i32
      %dma_wait3A_168 = arith.constant 0 : i32
      %dma_wait3A_169 = tpu.memref_slice %arg3[%dma_wait3A_167, %dma_wait3A_168] : memref<100000x128xf32, #tpu.memory_space<hbm>> -> memref<100000x128xf32, #tpu.memory_space<hbm>>
      %dma_wait3A_170 = tpu.memref_slice %arg7[%dma_wait3A_162] : memref<5x!tpu.dma_semaphore, #tpu.memory_space<semaphore_mem>> -> memref<1x!tpu.dma_semaphore, #tpu.memory_space<semaphore_mem>>
      %dma_wait3A_171 = tpu.memref_squeeze %dma_wait3A_170 : memref<1x!tpu.dma_semaphore, #tpu.memory_space<semaphore_mem>> -> memref<!tpu.dma_semaphore, #tpu.memory_space<semaphore_mem>>
      tpu.wait_indirect_dma semaphore(%dma_wait3A_171 : memref<!tpu.dma_semaphore, #tpu.memory_space<semaphore_mem>>) src(%dma_wait3A_169 : memref<100000x128xf32, #tpu.memory_space<hbm>>) dst(%dma_wait3A_165 : memref<128x128xf32, #tpu.memory_space<vmem>>)
      %mul3A_172 = arith.constant 128 : i32
      %mul3A_173 = arith.muli %add3A_159, %mul3A_172 : i32
      %add3A_174 = arith.addi %mul3A_2, %mul3A_173 : i32
      %dma_start3A_175 = arith.constant 2 : i32
      %dma_start3A_176 = arith.constant 256 : i32
      %dma_start3A_177 = arith.constant 0 : i32
      %dma_start3A_178 = tpu.memref_slice %arg6[%dma_start3A_176, %dma_start3A_177] : memref<640x128xf32, #tpu.memory_space<vmem>> -> memref<128x128xf32, #tpu.memory_space<vmem>>
      %dma_start3A_179 = arith.constant 0 : i32
      %dma_start3A_180 = tpu.memref_slice %arg4[%add3A_174, %dma_start3A_179] : memref<819200x128xf32, #tpu.memory_space<hbm>> -> memref<128x128xf32, #tpu.memory_space<hbm>>
      %dma_start3A_181 = tpu.memref_slice %arg8[%dma_start3A_175] : memref<5x!tpu.dma_semaphore, #tpu.memory_space<semaphore_mem>> -> memref<1x!tpu.dma_semaphore, #tpu.memory_space<semaphore_mem>>
      %dma_start3A_182 = tpu.memref_squeeze %dma_start3A_181 : memref<1x!tpu.dma_semaphore, #tpu.memory_space<semaphore_mem>> -> memref<!tpu.dma_semaphore, #tpu.memory_space<semaphore_mem>>
      %dma_start3A_183 = arith.constant 0 : i32
      %dma_start3A_184 = tpu.memref_slice %arg4[%add3A_174, %dma_start3A_183] : memref<819200x128xf32, #tpu.memory_space<hbm>> -> memref<128x128xf32, #tpu.memory_space<hbm>>
      %dma_start3A_185 = arith.constant 256 : i32
      %dma_start3A_186 = arith.constant 0 : i32
      %dma_start3A_187 = tpu.memref_slice %arg6[%dma_start3A_185, %dma_start3A_186] : memref<640x128xf32, #tpu.memory_space<vmem>> -> memref<128x128xf32, #tpu.memory_space<vmem>>
      tpu.enqueue_dma source(%dma_start3A_187 : memref<128x128xf32, #tpu.memory_space<vmem>>) target(%dma_start3A_184 : memref<128x128xf32, #tpu.memory_space<hbm>>) target_semaphore(%dma_start3A_182 : memref<!tpu.dma_semaphore, #tpu.memory_space<semaphore_mem>>)
      %add3A_188 = arith.constant 3 : i32
      %add3A_189 = arith.addi %add3A_159, %add3A_188 : i32
      %sub3A_190 = arith.constant 5 : i32
      %sub3A_191 = arith.subi %add3A_189, %sub3A_190 : i32
      %ge3A_192 = arith.constant 0 : i32
      %ge3A_193 = arith.cmpi sge, %sub3A_191, %ge3A_192 : i32
      %convert_element_type3A_194 = arith.extui %ge3A_193 : i1 to i32
      %cond3A_195 = arith.constant 0 : i32
      %cond3A_196 = arith.cmpi ne, %convert_element_type3A_194, %cond3A_195 : i32
      scf.if %cond3A_196 {
        %sub3A_294 = arith.constant 5 : i32
        %sub3A_295 = arith.subi %add3A_189, %sub3A_294 : i32
        %mul3A_296 = arith.constant 128 : i32
        %mul3A_297 = arith.muli %sub3A_295, %mul3A_296 : i32
        %add3A_298 = arith.addi %mul3A_2, %mul3A_297 : i32
        %dma_wait3A_299 = arith.constant 0 : i32
        %dma_wait3A_300 = arith.constant 0 : i32
        %dma_wait3A_301 = arith.constant 0 : i32
        %dma_wait3A_302 = tpu.memref_slice %arg6[%dma_wait3A_300, %dma_wait3A_301] : memref<640x128xf32, #tpu.memory_space<vmem>> -> memref<128x128xf32, #tpu.memory_space<vmem>>
        %dma_wait3A_303 = arith.constant 0 : i32
        %dma_wait3A_304 = tpu.memref_slice %arg4[%add3A_298, %dma_wait3A_303] : memref<819200x128xf32, #tpu.memory_space<hbm>> -> memref<128x128xf32, #tpu.memory_space<hbm>>
        %dma_wait3A_305 = tpu.memref_slice %arg8[%dma_wait3A_299] : memref<5x!tpu.dma_semaphore, #tpu.memory_space<semaphore_mem>> -> memref<1x!tpu.dma_semaphore, #tpu.memory_space<semaphore_mem>>
        %dma_wait3A_306 = tpu.memref_squeeze %dma_wait3A_305 : memref<1x!tpu.dma_semaphore, #tpu.memory_space<semaphore_mem>> -> memref<!tpu.dma_semaphore, #tpu.memory_space<semaphore_mem>>
        %dma_wait3A_307 = arith.constant 0 : i32
        %dma_wait3A_308 = tpu.memref_slice %arg4[%add3A_298, %dma_wait3A_307] : memref<819200x128xf32, #tpu.memory_space<hbm>> -> memref<128x128xf32, #tpu.memory_space<hbm>>
        %dma_wait3A_309 = arith.constant 0 : i32
        %dma_wait3A_310 = arith.constant 0 : i32
        %dma_wait3A_311 = tpu.memref_slice %arg6[%dma_wait3A_309, %dma_wait3A_310] : memref<640x128xf32, #tpu.memory_space<vmem>> -> memref<128x128xf32, #tpu.memory_space<vmem>>
        tpu.wait_dma2 semaphore(%dma_wait3A_306 : memref<!tpu.dma_semaphore, #tpu.memory_space<semaphore_mem>>) src(%dma_wait3A_311 : memref<128x128xf32, #tpu.memory_space<vmem>>) dst(%dma_wait3A_308 : memref<128x128xf32, #tpu.memory_space<hbm>>)
      } else {
      }
      %lt3A_197 = arith.constant 200 : i32
      %lt3A_198 = arith.cmpi slt, %add3A_189, %lt3A_197 : i32
      %convert_element_type3A_199 = arith.extui %lt3A_198 : i1 to i32
      %cond3A_200 = arith.constant 0 : i32
      %cond3A_201 = arith.cmpi ne, %convert_element_type3A_199, %cond3A_200 : i32
      scf.if %cond3A_201 {
        %mul3A_294 = arith.constant 128 : i32
        %mul3A_295 = arith.muli %add3A_189, %mul3A_294 : i32
        %dma_start3A_296 = arith.constant 0 : i32
        %dma_start3A_297 = arith.constant 0 : i32
        %dma_start3A_298 = arith.constant 0 : i32
        %dma_start3A_299 = tpu.memref_slice %arg6[%dma_start3A_297, %dma_start3A_298] : memref<640x128xf32, #tpu.memory_space<vmem>> -> memref<128x128xf32, #tpu.memory_space<vmem>>
        %dma_start3A_300 = tpu.memref_slice %arg5[%mul3A_295] : memref<25600xi32, #tpu.memory_space<vmem>> -> memref<128xi32, #tpu.memory_space<vmem>>
        %dma_start3A_301 = arith.constant 0 : i32
        %dma_start3A_302 = arith.constant 0 : i32
        %dma_start3A_303 = tpu.memref_slice %arg3[%dma_start3A_301, %dma_start3A_302] : memref<100000x128xf32, #tpu.memory_space<hbm>> -> memref<100000x128xf32, #tpu.memory_space<hbm>>
        %dma_start3A_304 = tpu.memref_slice %arg7[%dma_start3A_296] : memref<5x!tpu.dma_semaphore, #tpu.memory_space<semaphore_mem>> -> memref<1x!tpu.dma_semaphore, #tpu.memory_space<semaphore_mem>>
        %dma_start3A_305 = tpu.memref_squeeze %dma_start3A_304 : memref<1x!tpu.dma_semaphore, #tpu.memory_space<semaphore_mem>> -> memref<!tpu.dma_semaphore, #tpu.memory_space<semaphore_mem>>
        tpu.enqueue_indirect_dma source(%dma_start3A_303 : memref<100000x128xf32, #tpu.memory_space<hbm>>) target(%dma_start3A_299 : memref<128x128xf32, #tpu.memory_space<vmem>>) offsets(%dma_start3A_300 : memref<128xi32, #tpu.memory_space<vmem>>) semaphore(%dma_start3A_305 : memref<!tpu.dma_semaphore, #tpu.memory_space<semaphore_mem>>)
      } else {
      }
      %mul3A_202 = arith.constant 5 : i32
      %mul3A_203 = arith.muli %scan3A_68, %mul3A_202 : i32
      %add3A_204 = arith.constant 3 : i32
      %add3A_205 = arith.addi %mul3A_203, %add3A_204 : i32
      %mul3A_206 = arith.constant 128 : i32
      %mul3A_207 = arith.muli %add3A_205, %mul3A_206 : i32
      %dma_wait3A_208 = arith.constant 3 : i32
      %dma_wait3A_209 = arith.constant 384 : i32
      %dma_wait3A_210 = arith.constant 0 : i32
      %dma_wait3A_211 = tpu.memref_slice %arg6[%dma_wait3A_209, %dma_wait3A_210] : memref<640x128xf32, #tpu.memory_space<vmem>> -> memref<128x128xf32, #tpu.memory_space<vmem>>
      %dma_wait3A_212 = tpu.memref_slice %arg5[%mul3A_207] : memref<25600xi32, #tpu.memory_space<vmem>> -> memref<128xi32, #tpu.memory_space<vmem>>
      %dma_wait3A_213 = arith.constant 0 : i32
      %dma_wait3A_214 = arith.constant 0 : i32
      %dma_wait3A_215 = tpu.memref_slice %arg3[%dma_wait3A_213, %dma_wait3A_214] : memref<100000x128xf32, #tpu.memory_space<hbm>> -> memref<100000x128xf32, #tpu.memory_space<hbm>>
      %dma_wait3A_216 = tpu.memref_slice %arg7[%dma_wait3A_208] : memref<5x!tpu.dma_semaphore, #tpu.memory_space<semaphore_mem>> -> memref<1x!tpu.dma_semaphore, #tpu.memory_space<semaphore_mem>>
      %dma_wait3A_217 = tpu.memref_squeeze %dma_wait3A_216 : memref<1x!tpu.dma_semaphore, #tpu.memory_space<semaphore_mem>> -> memref<!tpu.dma_semaphore, #tpu.memory_space<semaphore_mem>>
      tpu.wait_indirect_dma semaphore(%dma_wait3A_217 : memref<!tpu.dma_semaphore, #tpu.memory_space<semaphore_mem>>) src(%dma_wait3A_215 : memref<100000x128xf32, #tpu.memory_space<hbm>>) dst(%dma_wait3A_211 : memref<128x128xf32, #tpu.memory_space<vmem>>)
      %mul3A_218 = arith.constant 128 : i32
      %mul3A_219 = arith.muli %add3A_205, %mul3A_218 : i32
      %add3A_220 = arith.addi %mul3A_2, %mul3A_219 : i32
      %dma_start3A_221 = arith.constant 3 : i32
      %dma_start3A_222 = arith.constant 384 : i32
      %dma_start3A_223 = arith.constant 0 : i32
      %dma_start3A_224 = tpu.memref_slice %arg6[%dma_start3A_222, %dma_start3A_223] : memref<640x128xf32, #tpu.memory_space<vmem>> -> memref<128x128xf32, #tpu.memory_space<vmem>>
      %dma_start3A_225 = arith.constant 0 : i32
      %dma_start3A_226 = tpu.memref_slice %arg4[%add3A_220, %dma_start3A_225] : memref<819200x128xf32, #tpu.memory_space<hbm>> -> memref<128x128xf32, #tpu.memory_space<hbm>>
      %dma_start3A_227 = tpu.memref_slice %arg8[%dma_start3A_221] : memref<5x!tpu.dma_semaphore, #tpu.memory_space<semaphore_mem>> -> memref<1x!tpu.dma_semaphore, #tpu.memory_space<semaphore_mem>>
      %dma_start3A_228 = tpu.memref_squeeze %dma_start3A_227 : memref<1x!tpu.dma_semaphore, #tpu.memory_space<semaphore_mem>> -> memref<!tpu.dma_semaphore, #tpu.memory_space<semaphore_mem>>
      %dma_start3A_229 = arith.constant 0 : i32
      %dma_start3A_230 = tpu.memref_slice %arg4[%add3A_220, %dma_start3A_229] : memref<819200x128xf32, #tpu.memory_space<hbm>> -> memref<128x128xf32, #tpu.memory_space<hbm>>
      %dma_start3A_231 = arith.constant 384 : i32
      %dma_start3A_232 = arith.constant 0 : i32
      %dma_start3A_233 = tpu.memref_slice %arg6[%dma_start3A_231, %dma_start3A_232] : memref<640x128xf32, #tpu.memory_space<vmem>> -> memref<128x128xf32, #tpu.memory_space<vmem>>
      tpu.enqueue_dma source(%dma_start3A_233 : memref<128x128xf32, #tpu.memory_space<vmem>>) target(%dma_start3A_230 : memref<128x128xf32, #tpu.memory_space<hbm>>) target_semaphore(%dma_start3A_228 : memref<!tpu.dma_semaphore, #tpu.memory_space<semaphore_mem>>)
      %add3A_234 = arith.constant 3 : i32
      %add3A_235 = arith.addi %add3A_205, %add3A_234 : i32
      %sub3A_236 = arith.constant 5 : i32
      %sub3A_237 = arith.subi %add3A_235, %sub3A_236 : i32
      %ge3A_238 = arith.constant 0 : i32
      %ge3A_239 = arith.cmpi sge, %sub3A_237, %ge3A_238 : i32
      %convert_element_type3A_240 = arith.extui %ge3A_239 : i1 to i32
      %cond3A_241 = arith.constant 0 : i32
      %cond3A_242 = arith.cmpi ne, %convert_element_type3A_240, %cond3A_241 : i32
      scf.if %cond3A_242 {
        %sub3A_294 = arith.constant 5 : i32
        %sub3A_295 = arith.subi %add3A_235, %sub3A_294 : i32
        %mul3A_296 = arith.constant 128 : i32
        %mul3A_297 = arith.muli %sub3A_295, %mul3A_296 : i32
        %add3A_298 = arith.addi %mul3A_2, %mul3A_297 : i32
        %dma_wait3A_299 = arith.constant 1 : i32
        %dma_wait3A_300 = arith.constant 128 : i32
        %dma_wait3A_301 = arith.constant 0 : i32
        %dma_wait3A_302 = tpu.memref_slice %arg6[%dma_wait3A_300, %dma_wait3A_301] : memref<640x128xf32, #tpu.memory_space<vmem>> -> memref<128x128xf32, #tpu.memory_space<vmem>>
        %dma_wait3A_303 = arith.constant 0 : i32
        %dma_wait3A_304 = tpu.memref_slice %arg4[%add3A_298, %dma_wait3A_303] : memref<819200x128xf32, #tpu.memory_space<hbm>> -> memref<128x128xf32, #tpu.memory_space<hbm>>
        %dma_wait3A_305 = tpu.memref_slice %arg8[%dma_wait3A_299] : memref<5x!tpu.dma_semaphore, #tpu.memory_space<semaphore_mem>> -> memref<1x!tpu.dma_semaphore, #tpu.memory_space<semaphore_mem>>
        %dma_wait3A_306 = tpu.memref_squeeze %dma_wait3A_305 : memref<1x!tpu.dma_semaphore, #tpu.memory_space<semaphore_mem>> -> memref<!tpu.dma_semaphore, #tpu.memory_space<semaphore_mem>>
        %dma_wait3A_307 = arith.constant 0 : i32
        %dma_wait3A_308 = tpu.memref_slice %arg4[%add3A_298, %dma_wait3A_307] : memref<819200x128xf32, #tpu.memory_space<hbm>> -> memref<128x128xf32, #tpu.memory_space<hbm>>
        %dma_wait3A_309 = arith.constant 128 : i32
        %dma_wait3A_310 = arith.constant 0 : i32
        %dma_wait3A_311 = tpu.memref_slice %arg6[%dma_wait3A_309, %dma_wait3A_310] : memref<640x128xf32, #tpu.memory_space<vmem>> -> memref<128x128xf32, #tpu.memory_space<vmem>>
        tpu.wait_dma2 semaphore(%dma_wait3A_306 : memref<!tpu.dma_semaphore, #tpu.memory_space<semaphore_mem>>) src(%dma_wait3A_311 : memref<128x128xf32, #tpu.memory_space<vmem>>) dst(%dma_wait3A_308 : memref<128x128xf32, #tpu.memory_space<hbm>>)
      } else {
      }
      %lt3A_243 = arith.constant 200 : i32
      %lt3A_244 = arith.cmpi slt, %add3A_235, %lt3A_243 : i32
      %convert_element_type3A_245 = arith.extui %lt3A_244 : i1 to i32
      %cond3A_246 = arith.constant 0 : i32
      %cond3A_247 = arith.cmpi ne, %convert_element_type3A_245, %cond3A_246 : i32
      scf.if %cond3A_247 {
        %mul3A_294 = arith.constant 128 : i32
        %mul3A_295 = arith.muli %add3A_235, %mul3A_294 : i32
        %dma_start3A_296 = arith.constant 1 : i32
        %dma_start3A_297 = arith.constant 128 : i32
        %dma_start3A_298 = arith.constant 0 : i32
        %dma_start3A_299 = tpu.memref_slice %arg6[%dma_start3A_297, %dma_start3A_298] : memref<640x128xf32, #tpu.memory_space<vmem>> -> memref<128x128xf32, #tpu.memory_space<vmem>>
        %dma_start3A_300 = tpu.memref_slice %arg5[%mul3A_295] : memref<25600xi32, #tpu.memory_space<vmem>> -> memref<128xi32, #tpu.memory_space<vmem>>
        %dma_start3A_301 = arith.constant 0 : i32
        %dma_start3A_302 = arith.constant 0 : i32
        %dma_start3A_303 = tpu.memref_slice %arg3[%dma_start3A_301, %dma_start3A_302] : memref<100000x128xf32, #tpu.memory_space<hbm>> -> memref<100000x128xf32, #tpu.memory_space<hbm>>
        %dma_start3A_304 = tpu.memref_slice %arg7[%dma_start3A_296] : memref<5x!tpu.dma_semaphore, #tpu.memory_space<semaphore_mem>> -> memref<1x!tpu.dma_semaphore, #tpu.memory_space<semaphore_mem>>
        %dma_start3A_305 = tpu.memref_squeeze %dma_start3A_304 : memref<1x!tpu.dma_semaphore, #tpu.memory_space<semaphore_mem>> -> memref<!tpu.dma_semaphore, #tpu.memory_space<semaphore_mem>>
        tpu.enqueue_indirect_dma source(%dma_start3A_303 : memref<100000x128xf32, #tpu.memory_space<hbm>>) target(%dma_start3A_299 : memref<128x128xf32, #tpu.memory_space<vmem>>) offsets(%dma_start3A_300 : memref<128xi32, #tpu.memory_space<vmem>>) semaphore(%dma_start3A_305 : memref<!tpu.dma_semaphore, #tpu.memory_space<semaphore_mem>>)
      } else {
      }
      %mul3A_248 = arith.constant 5 : i32
      %mul3A_249 = arith.muli %scan3A_68, %mul3A_248 : i32
      %add3A_250 = arith.constant 4 : i32
      %add3A_251 = arith.addi %mul3A_249, %add3A_250 : i32
      %mul3A_252 = arith.constant 128 : i32
      %mul3A_253 = arith.muli %add3A_251, %mul3A_252 : i32
      %dma_wait3A_254 = arith.constant 4 : i32
      %dma_wait3A_255 = arith.constant 512 : i32
      %dma_wait3A_256 = arith.constant 0 : i32
      %dma_wait3A_257 = tpu.memref_slice %arg6[%dma_wait3A_255, %dma_wait3A_256] : memref<640x128xf32, #tpu.memory_space<vmem>> -> memref<128x128xf32, #tpu.memory_space<vmem>>
      %dma_wait3A_258 = tpu.memref_slice %arg5[%mul3A_253] : memref<25600xi32, #tpu.memory_space<vmem>> -> memref<128xi32, #tpu.memory_space<vmem>>
      %dma_wait3A_259 = arith.constant 0 : i32
      %dma_wait3A_260 = arith.constant 0 : i32
      %dma_wait3A_261 = tpu.memref_slice %arg3[%dma_wait3A_259, %dma_wait3A_260] : memref<100000x128xf32, #tpu.memory_space<hbm>> -> memref<100000x128xf32, #tpu.memory_space<hbm>>
      %dma_wait3A_262 = tpu.memref_slice %arg7[%dma_wait3A_254] : memref<5x!tpu.dma_semaphore, #tpu.memory_space<semaphore_mem>> -> memref<1x!tpu.dma_semaphore, #tpu.memory_space<semaphore_mem>>
      %dma_wait3A_263 = tpu.memref_squeeze %dma_wait3A_262 : memref<1x!tpu.dma_semaphore, #tpu.memory_space<semaphore_mem>> -> memref<!tpu.dma_semaphore, #tpu.memory_space<semaphore_mem>>
      tpu.wait_indirect_dma semaphore(%dma_wait3A_263 : memref<!tpu.dma_semaphore, #tpu.memory_space<semaphore_mem>>) src(%dma_wait3A_261 : memref<100000x128xf32, #tpu.memory_space<hbm>>) dst(%dma_wait3A_257 : memref<128x128xf32, #tpu.memory_space<vmem>>)
      %mul3A_264 = arith.constant 128 : i32
      %mul3A_265 = arith.muli %add3A_251, %mul3A_264 : i32
      %add3A_266 = arith.addi %mul3A_2, %mul3A_265 : i32
      %dma_start3A_267 = arith.constant 4 : i32
      %dma_start3A_268 = arith.constant 512 : i32
      %dma_start3A_269 = arith.constant 0 : i32
      %dma_start3A_270 = tpu.memref_slice %arg6[%dma_start3A_268, %dma_start3A_269] : memref<640x128xf32, #tpu.memory_space<vmem>> -> memref<128x128xf32, #tpu.memory_space<vmem>>
      %dma_start3A_271 = arith.constant 0 : i32
      %dma_start3A_272 = tpu.memref_slice %arg4[%add3A_266, %dma_start3A_271] : memref<819200x128xf32, #tpu.memory_space<hbm>> -> memref<128x128xf32, #tpu.memory_space<hbm>>
      %dma_start3A_273 = tpu.memref_slice %arg8[%dma_start3A_267] : memref<5x!tpu.dma_semaphore, #tpu.memory_space<semaphore_mem>> -> memref<1x!tpu.dma_semaphore, #tpu.memory_space<semaphore_mem>>
      %dma_start3A_274 = tpu.memref_squeeze %dma_start3A_273 : memref<1x!tpu.dma_semaphore, #tpu.memory_space<semaphore_mem>> -> memref<!tpu.dma_semaphore, #tpu.memory_space<semaphore_mem>>
      %dma_start3A_275 = arith.constant 0 : i32
      %dma_start3A_276 = tpu.memref_slice %arg4[%add3A_266, %dma_start3A_275] : memref<819200x128xf32, #tpu.memory_space<hbm>> -> memref<128x128xf32, #tpu.memory_space<hbm>>
      %dma_start3A_277 = arith.constant 512 : i32
      %dma_start3A_278 = arith.constant 0 : i32
      %dma_start3A_279 = tpu.memref_slice %arg6[%dma_start3A_277, %dma_start3A_278] : memref<640x128xf32, #tpu.memory_space<vmem>> -> memref<128x128xf32, #tpu.memory_space<vmem>>
      tpu.enqueue_dma source(%dma_start3A_279 : memref<128x128xf32, #tpu.memory_space<vmem>>) target(%dma_start3A_276 : memref<128x128xf32, #tpu.memory_space<hbm>>) target_semaphore(%dma_start3A_274 : memref<!tpu.dma_semaphore, #tpu.memory_space<semaphore_mem>>)
      %add3A_280 = arith.constant 3 : i32
      %add3A_281 = arith.addi %add3A_251, %add3A_280 : i32
      %sub3A_282 = arith.constant 5 : i32
      %sub3A_283 = arith.subi %add3A_281, %sub3A_282 : i32
      %ge3A_284 = arith.constant 0 : i32
      %ge3A_285 = arith.cmpi sge, %sub3A_283, %ge3A_284 : i32
      %convert_element_type3A_286 = arith.extui %ge3A_285 : i1 to i32
      %cond3A_287 = arith.constant 0 : i32
      %cond3A_288 = arith.cmpi ne, %convert_element_type3A_286, %cond3A_287 : i32
      scf.if %cond3A_288 {
        %sub3A_294 = arith.constant 5 : i32
        %sub3A_295 = arith.subi %add3A_281, %sub3A_294 : i32
        %mul3A_296 = arith.constant 128 : i32
        %mul3A_297 = arith.muli %sub3A_295, %mul3A_296 : i32
        %add3A_298 = arith.addi %mul3A_2, %mul3A_297 : i32
        %dma_wait3A_299 = arith.constant 2 : i32
        %dma_wait3A_300 = arith.constant 256 : i32
        %dma_wait3A_301 = arith.constant 0 : i32
        %dma_wait3A_302 = tpu.memref_slice %arg6[%dma_wait3A_300, %dma_wait3A_301] : memref<640x128xf32, #tpu.memory_space<vmem>> -> memref<128x128xf32, #tpu.memory_space<vmem>>
        %dma_wait3A_303 = arith.constant 0 : i32
        %dma_wait3A_304 = tpu.memref_slice %arg4[%add3A_298, %dma_wait3A_303] : memref<819200x128xf32, #tpu.memory_space<hbm>> -> memref<128x128xf32, #tpu.memory_space<hbm>>
        %dma_wait3A_305 = tpu.memref_slice %arg8[%dma_wait3A_299] : memref<5x!tpu.dma_semaphore, #tpu.memory_space<semaphore_mem>> -> memref<1x!tpu.dma_semaphore, #tpu.memory_space<semaphore_mem>>
        %dma_wait3A_306 = tpu.memref_squeeze %dma_wait3A_305 : memref<1x!tpu.dma_semaphore, #tpu.memory_space<semaphore_mem>> -> memref<!tpu.dma_semaphore, #tpu.memory_space<semaphore_mem>>
        %dma_wait3A_307 = arith.constant 0 : i32
        %dma_wait3A_308 = tpu.memref_slice %arg4[%add3A_298, %dma_wait3A_307] : memref<819200x128xf32, #tpu.memory_space<hbm>> -> memref<128x128xf32, #tpu.memory_space<hbm>>
        %dma_wait3A_309 = arith.constant 256 : i32
        %dma_wait3A_310 = arith.constant 0 : i32
        %dma_wait3A_311 = tpu.memref_slice %arg6[%dma_wait3A_309, %dma_wait3A_310] : memref<640x128xf32, #tpu.memory_space<vmem>> -> memref<128x128xf32, #tpu.memory_space<vmem>>
        tpu.wait_dma2 semaphore(%dma_wait3A_306 : memref<!tpu.dma_semaphore, #tpu.memory_space<semaphore_mem>>) src(%dma_wait3A_311 : memref<128x128xf32, #tpu.memory_space<vmem>>) dst(%dma_wait3A_308 : memref<128x128xf32, #tpu.memory_space<hbm>>)
      } else {
      }
      %lt3A_289 = arith.constant 200 : i32
      %lt3A_290 = arith.cmpi slt, %add3A_281, %lt3A_289 : i32
      %convert_element_type3A_291 = arith.extui %lt3A_290 : i1 to i32
      %cond3A_292 = arith.constant 0 : i32
      %cond3A_293 = arith.cmpi ne, %convert_element_type3A_291, %cond3A_292 : i32
      scf.if %cond3A_293 {
        %mul3A_294 = arith.constant 128 : i32
        %mul3A_295 = arith.muli %add3A_281, %mul3A_294 : i32
        %dma_start3A_296 = arith.constant 2 : i32
        %dma_start3A_297 = arith.constant 256 : i32
        %dma_start3A_298 = arith.constant 0 : i32
        %dma_start3A_299 = tpu.memref_slice %arg6[%dma_start3A_297, %dma_start3A_298] : memref<640x128xf32, #tpu.memory_space<vmem>> -> memref<128x128xf32, #tpu.memory_space<vmem>>
        %dma_start3A_300 = tpu.memref_slice %arg5[%mul3A_295] : memref<25600xi32, #tpu.memory_space<vmem>> -> memref<128xi32, #tpu.memory_space<vmem>>
        %dma_start3A_301 = arith.constant 0 : i32
        %dma_start3A_302 = arith.constant 0 : i32
        %dma_start3A_303 = tpu.memref_slice %arg3[%dma_start3A_301, %dma_start3A_302] : memref<100000x128xf32, #tpu.memory_space<hbm>> -> memref<100000x128xf32, #tpu.memory_space<hbm>>
        %dma_start3A_304 = tpu.memref_slice %arg7[%dma_start3A_296] : memref<5x!tpu.dma_semaphore, #tpu.memory_space<semaphore_mem>> -> memref<1x!tpu.dma_semaphore, #tpu.memory_space<semaphore_mem>>
        %dma_start3A_305 = tpu.memref_squeeze %dma_start3A_304 : memref<1x!tpu.dma_semaphore, #tpu.memory_space<semaphore_mem>> -> memref<!tpu.dma_semaphore, #tpu.memory_space<semaphore_mem>>
        tpu.enqueue_indirect_dma source(%dma_start3A_303 : memref<100000x128xf32, #tpu.memory_space<hbm>>) target(%dma_start3A_299 : memref<128x128xf32, #tpu.memory_space<vmem>>) offsets(%dma_start3A_300 : memref<128xi32, #tpu.memory_space<vmem>>) semaphore(%dma_start3A_305 : memref<!tpu.dma_semaphore, #tpu.memory_space<semaphore_mem>>)
      } else {
      }
    }
    %scan3A_38 = arith.constant 40 : i32
    %add3A_39 = arith.constant 25344 : i32
    %add3A_40 = arith.addi %mul3A_2, %add3A_39 : i32
    %dma_wait3A = arith.constant 3 : i32
    %dma_wait3A_41 = arith.constant 384 : i32
    %dma_wait3A_42 = arith.constant 0 : i32
    %dma_wait3A_43 = tpu.memref_slice %arg6[%dma_wait3A_41, %dma_wait3A_42] : memref<640x128xf32, #tpu.memory_space<vmem>> -> memref<128x128xf32, #tpu.memory_space<vmem>>
    %dma_wait3A_44 = arith.constant 0 : i32
    %dma_wait3A_45 = tpu.memref_slice %arg4[%add3A_40, %dma_wait3A_44] : memref<819200x128xf32, #tpu.memory_space<hbm>> -> memref<128x128xf32, #tpu.memory_space<hbm>>
    %dma_wait3A_46 = tpu.memref_slice %arg8[%dma_wait3A] : memref<5x!tpu.dma_semaphore, #tpu.memory_space<semaphore_mem>> -> memref<1x!tpu.dma_semaphore, #tpu.memory_space<semaphore_mem>>
    %dma_wait3A_47 = tpu.memref_squeeze %dma_wait3A_46 : memref<1x!tpu.dma_semaphore, #tpu.memory_space<semaphore_mem>> -> memref<!tpu.dma_semaphore, #tpu.memory_space<semaphore_mem>>
    %dma_wait3A_48 = arith.constant 0 : i32
    %dma_wait3A_49 = tpu.memref_slice %arg4[%add3A_40, %dma_wait3A_48] : memref<819200x128xf32, #tpu.memory_space<hbm>> -> memref<128x128xf32, #tpu.memory_space<hbm>>
    %dma_wait3A_50 = arith.constant 384 : i32
    %dma_wait3A_51 = arith.constant 0 : i32
    %dma_wait3A_52 = tpu.memref_slice %arg6[%dma_wait3A_50, %dma_wait3A_51] : memref<640x128xf32, #tpu.memory_space<vmem>> -> memref<128x128xf32, #tpu.memory_space<vmem>>
    tpu.wait_dma2 semaphore(%dma_wait3A_47 : memref<!tpu.dma_semaphore, #tpu.memory_space<semaphore_mem>>) src(%dma_wait3A_52 : memref<128x128xf32, #tpu.memory_space<vmem>>) dst(%dma_wait3A_49 : memref<128x128xf32, #tpu.memory_space<hbm>>)
    %add3A_53 = arith.constant 25472 : i32
    %add3A_54 = arith.addi %mul3A_2, %add3A_53 : i32
    %dma_wait3A_55 = arith.constant 4 : i32
    %dma_wait3A_56 = arith.constant 512 : i32
    %dma_wait3A_57 = arith.constant 0 : i32
    %dma_wait3A_58 = tpu.memref_slice %arg6[%dma_wait3A_56, %dma_wait3A_57] : memref<640x128xf32, #tpu.memory_space<vmem>> -> memref<128x128xf32, #tpu.memory_space<vmem>>
    %dma_wait3A_59 = arith.constant 0 : i32
    %dma_wait3A_60 = tpu.memref_slice %arg4[%add3A_54, %dma_wait3A_59] : memref<819200x128xf32, #tpu.memory_space<hbm>> -> memref<128x128xf32, #tpu.memory_space<hbm>>
    %dma_wait3A_61 = tpu.memref_slice %arg8[%dma_wait3A_55] : memref<5x!tpu.dma_semaphore, #tpu.memory_space<semaphore_mem>> -> memref<1x!tpu.dma_semaphore, #tpu.memory_space<semaphore_mem>>
    %dma_wait3A_62 = tpu.memref_squeeze %dma_wait3A_61 : memref<1x!tpu.dma_semaphore, #tpu.memory_space<semaphore_mem>> -> memref<!tpu.dma_semaphore, #tpu.memory_space<semaphore_mem>>
    %dma_wait3A_63 = arith.constant 0 : i32
    %dma_wait3A_64 = tpu.memref_slice %arg4[%add3A_54, %dma_wait3A_63] : memref<819200x128xf32, #tpu.memory_space<hbm>> -> memref<128x128xf32, #tpu.memory_space<hbm>>
    %dma_wait3A_65 = arith.constant 512 : i32
    %dma_wait3A_66 = arith.constant 0 : i32
    %dma_wait3A_67 = tpu.memref_slice %arg6[%dma_wait3A_65, %dma_wait3A_66] : memref<640x128xf32, #tpu.memory_space<vmem>> -> memref<128x128xf32, #tpu.memory_space<vmem>>
    tpu.wait_dma2 semaphore(%dma_wait3A_62 : memref<!tpu.dma_semaphore, #tpu.memory_space<semaphore_mem>>) src(%dma_wait3A_67 : memref<128x128xf32, #tpu.memory_space<vmem>>) dst(%dma_wait3A_64 : memref<128x128xf32, #tpu.memory_space<hbm>>)
    return
  }
}

</mosaic_0001>

<sc_bundles>
// kernel: kernel.3.cloned.1.call-start
scs
__scs_entry_jumppad:
0x0: {  	(pc) =	sbr.rel $0x88, $3  }
0x1: {  	(tag) =	ssettag $0x0;
	lr =	simm.s32 $0x1  }
0x2: {  	[smem:$0x3F9F] =	sst lr;
	_ =	strace $0xD0000000  }
0x3: {  	_ = 	snop  }
0x4: {  	_ = 	snop  }
0x5: {  	_ = 	snop  }
0x6: {  	_ = 	snop  }
0x7: {  	_ = 	snop  }
__scs_overlays_trampoline_lowered:
0x8: {  	[smem:$0x3FAE] =	sst s0  }
0x9: {  	[smem:$0x3FAF] =	sst s1  }
0xa: {  	[smem:$0x3FB0] =	sst s2  }
0xb: {  	[smem:$0x3FB1] =	sst s3  }
0xc: {  	[smem:$0x3FB2] =	sst s4  }
0xd: {  	[smem:$0x3FB3] =	sst s5  }
0xe: {  	[smem:$0x3FB4] =	sst s6  }
0xf: {  	[smem:$0x3FB5] =	sst s7  }
0x10: {  	[smem:$0x3FB6] =	sst s8  }
0x11: {  	[smem:$0x3FB7] =	sst s9;
	s0 =	simm.s32 @!p0 $0x0  }
0x12: {  	s1 =	sld [smem:$0x3F9D];
	s0 =	simm.s32 @p0 $0x1  }
0x13: {  	[smem:$0x3FB8] =	sst s0;
	s0 =	simm.s32 @!p1 $0x0  }
0x14: {  	s2 =	sld [smem:$0x3F9C];
	s0 =	simm.s32 @p1 $0x1  }
0x15: {  	[smem:$0x3FB9] =	sst s0;
	s0 =	simm.s32 @!p2 $0x0  }
0x16: {  	s3 =	sld [smem:$0x3FDB];
	s0 =	simm.s32 @p2 $0x1  }
0x17: {  	s4 =	simm.s32 $0x1BF5;
	[smem:$0x3FBB] =	sst s0  }
0x18: {  	s0 =	sld [smem:$0x3F9E];
	_ =	swait.ge [sflag:s4], $0x0  }
0x19: {  	s7 =	sld [smem:$0x3F9F]  }
0x1a: {  	s8 =	sadd.s32 $0xFFFFE003, lr  }
0x1b: {  	s9 =	sadd.s32 $0xFFFFFEF7, lr;
	s5 =	simm.s32 $0xFFFFFFFF;
	p2 =	slt.u32 s8, $0xFFFFF086  }
0x1c: {  	p1 =	slt.u32 s9, $0xF7A;
	s5 =	simm.s32 @!p2 $0x0  }
0x1d: {  	s5 =	simm.s32 @p1 $0x1;
	p0 =	seq.s32 s7, s2  }
0x1e: {  	s7 =	smul.u32 @!p0 $0xF7A, s2;
	p2 =	seq.s32 @!p0 s5, $0x0  }
0x1f: {  	s9 =	smul.u32 $0xF7A, s1;
	s8 =	simm.s32 @!p0 $0x1BF5;
	p2 =	por !p2, p0  }
0x20: {  	[sflag:s8] =	ssyncset.s32 @!p0 $0xFFFFF086;
	s6 =	sadd.s32 @!p0 s3, s7;
	s7 =	simm.s32 @!p0 $0x108  }
0x21: {  	s3 =	sadd.s32 s3, s9;
	s6 =	sadd.s32 @!p0 $0x88, s6;
	s7 =	simm.s32 @p2 $0x1082  }
0x22: {  	[simem:s7], [sflag:s8] =	dma.local @!p0 [hbm:s6], $0xF7A  }
0x23: {  	s9 =	sor.u32 $0xD0000000, s2;
	s6 =	simm.s32 $0x108;
	_ =	swait.ge @!p0 [sflag:s8], $0x0  }
0x24: {  	s3 =	sadd.s32 $0x88, s3;
	s6 =	simm.s32 @!p1 $0x1082;
	[sflag:s4] =	ssyncset.s32 $0xFFFFF086  }
0x25: {  	[simem:s6], [sflag:s4] =	dma.local [hbm:s3], $0xF7A  }
0x26: {  	[smem:$0x3F9F] =	sst s1;
	(tag) =	ssettag s2;
	_ =	strace s9  }
0x27: {  	s1 =	sld [smem:$0x3FAF]  }
0x28: {  	s2 =	sld [smem:$0x3FB0]  }
0x29: {  	s4 =	sld [smem:$0x3FB2]  }
0x2a: {  	p0 =	seq.s32 s5, $0x0;
	s5 =	sld [smem:$0x3FB3]  }
0x2b: {  	s6 =	sld [smem:$0x3FB4]  }
0x2c: {  	s7 =	sld [smem:$0x3FB5]  }
0x2d: {  	s3 =	simm.s32 $0x108;
	s8 =	sld [smem:$0x3FB6]  }
0x2e: {  	s3 =	simm.s32 @!p0 $0x1082;
	s9 =	sld [smem:$0x3FB7]  }
0x2f: {  	lr =	sadd.s32 s0, s3;
	s0 =	sld [smem:$0x3FAE]  }
0x30: {  	s3 =	sld [smem:$0x3FB1]  }
0x31: {  	[smem:$0x3FBA] =	sst s10  }
0x32: {  	s10 =	sld [smem:$0x3FB8];
	_ =	sdelay $0x3  }
0x33: {  	p0 =	seq.s32 s10, $0x1;
	s10 =	sld [smem:$0x3FBA];
	_ =	sdelay $0x3  }
0x34: {  	[smem:$0x3FBA] =	sst s10  }
0x35: {  	s10 =	sld [smem:$0x3FB9];
	_ =	sdelay $0x3  }
0x36: {  	p1 =	seq.s32 s10, $0x1;
	s10 =	sld [smem:$0x3FBA];
	_ =	sdelay $0x3  }
0x37: {  	[smem:$0x3FBA] =	sst s10  }
0x38: {  	s10 =	sld [smem:$0x3FBB]  }
0x39: {  	_ = 	snop;
	(pc) =	sbr.ind lr, $3  }
0x3a: {  	_ = 	snop  }
0x3b: {  	_ = 	snop  }
0x3c: {  	p2 =	seq.s32 s10, $0x1;
	s10 =	sld [smem:$0x3FBA]  }
0x3d: {  	_ =	shalt  }
0x3e: {  	_ =	shalt  }
0x3f: {  	_ =	shalt  }
0x40: {  	_ =	shalt  }
0x41: {  	_ =	shalt  }
0x42: {  	_ =	shalt  }
0x43: {  	_ =	shalt  }
0x44: {  	_ =	shalt  }
0x45: {  	_ =	shalt  }
0x46: {  	_ =	shalt  }
0x47: {  	_ =	shalt  }
0x48: {  	_ =	shalt  }
0x49: {  	_ =	shalt  }
0x4a: {  	_ =	shalt  }
0x4b: {  	_ =	shalt  }
0x4c: {  	_ =	shalt  }
0x4d: {  	_ =	shalt  }
0x4e: {  	_ =	shalt  }
0x4f: {  	_ =	shalt  }
0x50: {  	_ =	shalt  }
0x51: {  	_ =	shalt  }
0x52: {  	_ =	shalt  }
0x53: {  	_ =	shalt  }
0x54: {  	_ =	shalt  }
0x55: {  	_ =	shalt  }
0x56: {  	_ =	shalt  }
0x57: {  	_ =	shalt  }
0x58: {  	_ =	shalt  }
0x59: {  	_ =	shalt  }
0x5a: {  	_ =	shalt  }
0x5b: {  	_ =	shalt  }
0x5c: {  	_ =	shalt  }
0x5d: {  	_ =	shalt  }
0x5e: {  	_ =	shalt  }
0x5f: {  	_ =	shalt  }
0x60: {  	_ =	shalt  }
0x61: {  	_ =	shalt  }
0x62: {  	_ =	shalt  }
0x63: {  	_ =	shalt  }
0x64: {  	_ =	shalt  }
0x65: {  	_ =	shalt  }
0x66: {  	_ =	shalt  }
0x67: {  	_ =	shalt  }
0x68: {  	_ =	shalt  }
0x69: {  	_ =	shalt  }
0x6a: {  	_ =	shalt  }
0x6b: {  	_ =	shalt  }
0x6c: {  	_ =	shalt  }
0x6d: {  	_ =	shalt  }
0x6e: {  	_ =	shalt  }
0x6f: {  	_ =	shalt  }
0x70: {  	_ =	shalt  }
0x71: {  	_ =	shalt  }
0x72: {  	_ =	shalt  }
0x73: {  	_ =	shalt  }
0x74: {  	_ =	shalt  }
0x75: {  	_ =	shalt  }
0x76: {  	_ =	shalt  }
0x77: {  	_ =	shalt  }
0x78: {  	_ =	shalt  }
0x79: {  	_ =	shalt  }
0x7a: {  	_ =	shalt  }
0x7b: {  	_ =	shalt  }
0x7c: {  	_ =	shalt  }
0x7d: {  	_ =	shalt  }
0x7e: {  	_ =	shalt  }
0x7f: {  	_ =	shalt  }
0x80: {  	_ =	shalt  }
0x81: {  	_ =	shalt  }
0x82: {  	_ =	shalt  }
0x83: {  	_ =	shalt  }
0x84: {  	_ =	shalt  }
0x85: {  	_ =	shalt  }
0x86: {  	_ =	shalt  }
0x87: {  	_ =	shalt  }
.Lfunc_end0:
.L_simem_size_0:
called_computation_lowered:
.L_overlay_start_0:
0x88: {  	s2 =	sld [smem:$0x3FD9]  }
0x89: {  	s3 =	sld [smem:$0x3FFE];
	_ =	sdelay $0x1  }
0x8a: {  	s1 =	srdreg.scid  }
0x8b: {  	s0 =	sand.u32 $0x1, s1  }
0x8c: {  	s17 =	sshll.u32 s0, $0xA;
	s2 =	sadd.s32 s3, s2  }
0x8d: {  	s2 =	sadd.s32 s2, s17  }
0x8e: {  	[smem:$0x3FC6] =	sst s2  }
0x8f: {  	_ = 	snop  }
0x90: {  	s2 =	sld [smem:$0x3FC8]  }
0x91: {  	s18 =	sld [smem:$0x3FD0];
	(tm) =	ssettm $0x1  }
0x92: {  	s4 =	sld [smem:$0x3FFB];
	_ =	sdelay $0x3  }
0x93: {  	_ =	strace s4  }
0x94: {  	s4 =	sld [smem:$0x3FFC];
	_ =	sdelay $0x3  }
0x95: {  	_ =	strace s4  }
0x96: {  	s4 =	sld [smem:$0x3FFD];
	_ =	sdelay $0x3  }
0x97: {  	_ =	strace s4  }
0x98: {  	_ =	strace $0x8FFFFFFF  }
0x99: {  	s19 =	sld [smem:$0x3FDB];
	_ =	sdelay $0x1  }
0x9a: {  	s5 =	simm.s32 $_scs_section_size  }
0x9b: {  	s6 =	simm.s32 $_size__tile_overlayer_lowered;
	s7 =	simm.s32 $_tile_overlayer_lowered  }
0x9c: {  	s22 =	simm.s32 $0x1BFF;
	s21 =	sshll.u32 s7, $0x1;
	s4 =	sadd.s32 s5, s19  }
0x9d: {  	s8 =	simm.s32 $0x0;
	s20 =	sshll.u32 s6, $0x1;
	s6 =	sadd.s32 s21, s4  }
0x9e: {  	[timem:s8], [sflag:s22] =	dma.local [hbm:s6], s20  }
0x9f: {  	_ =	swait.ge [sflag:s22], s20  }
0xa0: {  	s5 =	ssub.s32 $0x0, s20;
	[sflag:s22] =	ssyncset.done $0x0  }
0xa1: {  	[sflag:s22] =	ssyncadd.s32 s5;
	_ =	sdelay $0x1  }
0xa2: {  	s23 =	simm.s32 $0x1B8B  }
0xa3: {  	_ =	swait.ge [sflag:s23], $0x1  }
0xa4: {  	[sflag:s23] =	ssyncset.done $0x0  }
0xa5: {  	s25 =	simm.s32 $0x1B8E;
	s24 =	sld [smem:$0x3FFE];
	[sflag:s23] =	ssyncadd.s32 $0xFFFFFFFF  }
0xa6: {  	s26 =	simm.s32 $execute0_lowered;
	[smem:$0x3FD2] =	sst s25  }
0xa7: {  	s6 =	sshll.u32 s26, $0x1;
	_ =	strace $0x80000046;
	[dreg:$0x1] =	wrdreg $0xFFFFFFFF  }
0xa8: {  	s28 =	simm.s32 $_size_execute0_lowered;
	s4 =	sadd.s32 s4, s6;
	[dreg:$0x0] =	wrdreg $0x0  }
0xa9: {  	s6 =	sshll.u32 s28, $0x1;
	[dreg:$0x2] =	wrdreg s4  }
0xaa: {  	[dreg:$0x3] =	wrdreg s6  }
0xab: {  	[dreg:$0x4] =	wrdreg $0xC0  }
0xac: {  	_ =	task [dreg:s8], $0x5FFFF  }
0xad: {  	[dreg:$0x1] =	wrdreg $0xFFFFFFFF  }
0xae: {  	[dreg:$0x0] =	wrdreg $0x60  }
0xaf: {  	[dreg:$0x2] =	wrdreg s24  }
0xb0: {  	[dreg:$0x3] =	wrdreg s2  }
0xb1: {  	[dreg:$0x4] =	wrdreg s18  }
0xb2: {  	[dreg:$0x5] =	wrdreg $0x9  }
0xb3: {  	_ =	task.clear_ibuf [dreg:s8], $0x6FFFF;
	_ =	strace $0x90000046  }
0xb4: {  	s29 =	simm.s32 $0x9;
	_ =	strace $0x80000048  }
0xb5: {  	_ =	swait.ge [sflag:s29], $0x1  }
0xb6: {  	[sflag:s29] =	ssyncadd.s32 $0xFFFFFFFF  }
0xb7: {  	_ =	strace $0x90000048  }
0xb8: {  	_ =	sfence  }
0xb9: {  	s30 =	sld [smem:$0x0];
	_ =	sdelay $0x2  }
0xba: {  	s31 =	sshll.u32 s1, $0xD;
	s1 =	sshrl.u32 s1, $0x2  }
0xbb: {  	s3 =	sand.u32 $0x4000, s31;
	s1 =	sadd.s32 s1, s30  }
0xbc: {  	s0 =	sor.u32 s3, s0;
	s1 =	sshll.u32 s1, $0x11  }
0xbd: {  	s0 =	sor.u32 s1, s0  }
0xbe: {  	s0 =	sadd.s32 $0x8F2B, s0  }
0xbf: {  	[sflag:s0] =	ssyncadd.remote.s32 $0x1  }
0xc0: {  	_ =	sfence.sel $0xFFFF  }
0xc1: {  	[dreg:$0x0] =	wrdreg $0xFFFFFFFF;
	(pc) =	sbr.abs _section_cstart, $3  }
0xc2: {  	[dreg:$0x1] =	wrdreg $0xFFFFFFFF  }
0xc3: {  	_ =	task.clear_ibuf [dreg:s8], $0x2FFFF;
	_ =	strace $0x9FFFFFFF  }
0xc4: {  	(tm) =	ssettm $0x7FFFFFFF  }
0xc5: {  	_ =	shalt  }
tec
execute0_lowered:
.L_overlay_start_1:
0x0: {  	(tag) =	ssettag $0x1  }
0x1: {  	s0 =	rddreg [dreg:$0x0];
	s1 =	srdreg.scid  }
0x2: {  	s9 =	stileid.u32;
	s2 =	rddreg [dreg:$0x1]  }
0x3: {  	s4 =	rddreg [dreg:$0x2];
	s11 =	simm.s32 $0xB;
	s12 =	simm.s32 $0x80  }
0x4: {  	s13 =	simm.s32 $0x6400;
	s14 =	simm.s32 $0xA400;
	s16 =	simm.s32 $0xE400  }
0x5: {  	s28 =	simm.s32 $0x9;
	s29 =	simm.s32 $0xA;
	s6 =	smul.u32 $0x640000, s9  }
0x6: {  	s1 =	sand.u32 $0x1, s1;
	s3 =	sshll.u32 s9, $0x1;
	s18 =	smul.u32 $0xC8000, s9  }
0x7: {  	s30 =	simm.s32 $0x0;
	s5 =	sor.u32 s1, s3;
	s8 =	smul.u32 $0x320000, s1  }
0x8: {  	s3 =	simm.s32 $0x0;
	s7 =	ssub.s32 $0x2, s1;
	s19 =	smul.u32 $0x64000, s1  }
0x9: {  	s5 =	smul.u32 $0x6400, s5;
	[smem:$0x7FF] =	sst s3;
	s17 =	sshrl.u32 s7, $0x1  }
0xa: {  	s21 =	sadd.s32 s18, s4;
	s18 =	simm.s32 $0x12400;
	s6 =	sadd.s32 s8, s6  }
0xb: {  	_ =	strace $0x80000047;
	s5 =	sshrl.u32 s5, $0x3;
	s20 =	sor.u32 $0x10000, s6  }
0xc: {  	s23 =	sor.u32 $0xC000, s6;
	s24 =	sor.u32 $0x8000, s6;
	s25 =	sor.u32 $0x4000, s6  }
0xd: {  	s0 =	sadd.s32 s5, s0;
	s5 =	ssub.s32 s7, s17;
	s1 =	sshrl.u32 s20, $0x3  }
0xe: {  	s17 =	simm.s32 $0x1;
	s20 =	simm.s32 $0x16400;
	s0 =	sadd.s32 $0x400, s0  }
0xf: {  	s5 =	smax.u32 s5, $0x1;
	s22 =	sadd.s32 s1, s4;
	[dreg:$0x4] =	wrdreg s0  }
0x10: {  	s1 =	sshrl.u32 s24, $0x3;
	s24 =	simm.s32 $0x7;
	[dreg:$0x5] =	wrdreg s5  }
0x11: {  	s0 =	sadd.s32 s19, s21;
	[dreg:$0x7] =	wrdreg s22;
	s5 =	sshrl.u32 s25, $0x3  }
.Ltmp0:
0x12: {  	s26 =	sadd.s32 s1, s4;
	s19 =	simm.s32 $0x2;
	(pc) =	sbr.rel .LBB2_1-.Ltmp0, $4  }
0x13: {  	s21 =	simm.s32 $0x3;
	s22 =	simm.s32 $0x6;
	[dreg:$0x6] =	wrdreg s0  }
0x14: {  	s0 =	sshrl.u32 s23, $0x3;
	[dreg:$0x9] =	wrdreg s26;
	s31 =	sadd.s32 s5, s4  }
0x15: {  	s25 =	simm.s32 $0x5;
	s0 =	sadd.s32 s0, s4;
	[dreg:$0xa] =	wrdreg s31  }
0x16: {  	s23 =	simm.s32 $0x4;
	s26 =	simm.s32 $0x8;
	[dreg:$0x8] =	wrdreg s0  }
.LBB2_4:
0x17: {  	_ =	swait.ge [sflag:s28], $0x4000  }
0x18: {  	[sflag:s28] =	ssyncset.done $0x0  }
0x19: {  	[sflag:s28] =	ssyncadd.s32 $0xFFFFC000  }
0x1a: {  	_ =	swait.ge [sflag:s29], $0x4000  }
0x1b: {  	s30 =	sadd.s32 $0x1, s30;
	s0 =	rddreg [dreg:$0x5]  }
0x1c: {  	p0 =	sne.s32 s30, s0  }
.Ltmp1:
0x1d: {  	_ = 	snop;
	(pc) =	sbr.rel @!p0 .LBB2_5-.Ltmp1, $3  }
0x1e: {  	_ =	sdelay $0x1  }
0x1f: {  	[sflag:s29] =	ssyncset.done $0x0  }
0x20: {  	[sflag:s29] =	ssyncadd.s32 $0xFFFFC000  }
.LBB2_1:
0x21: {  	s0 =	rddreg [dreg:$0x4]  }
0x22: {  	[tilespmem:s3], [sflag:$0xB] =	stream.linear.gather [hbm4b:s0+s3], $0x6400, $0x38;
	[tilespmem:$0x1A400] =	vst v63  }
0x23: {  	_ =	swait.ge [sflag:s11], $0x6400  }
0x24: {  	s31 =	rddreg [dreg:$0xa]  }
0x25: {  	[sflag:s11] =	ssyncset.done $0x0;
	s9 =	rddreg [dreg:$0x9]  }
0x26: {  	s8 =	rddreg [dreg:$0x8];
	[sflag:s11] =	ssyncadd.s32 $0xFFFF9C00  }
0x27: {  	[tilespmem:s13], [sflag:$0x1] =	stream.indirect.gather [hbm4b:s2+s12], $0x80, s3, s12, $0xb8;
	[tilespmem:$0x1A400] =	vst v63  }
0x28: {  	s7 =	rddreg [dreg:$0x7]  }
0x29: {  	[tilespmem:s14], [sflag:$0x2] =	stream.indirect.gather [hbm4b:s2+s12], $0x80, s12, s12, $0xb8;
	[tilespmem:$0x1A400] =	vst v63  }
0x2a: {  	s15 =	simm.s32 $0x100;
	s5 =	simm.s32 $0x0;
	s6 =	rddreg [dreg:$0x6]  }
0x2b: {  	[tilespmem:s16], [sflag:$0x3] =	stream.indirect.gather [hbm4b:s2+s12], $0x80, s15, s12, $0xb8;
	[tilespmem:$0x1A400] =	vst v63  }
.LBB2_2:
0x2c: {  	_ =	swait.ge [sflag:s17], $0x4000  }
0x2d: {  	p0 =	seq.s32 s5, $0x0;
	[sflag:s17] =	ssyncset.done $0x0  }
0x2e: {  	s15 =	simm.s32 @!p0 $0x9;
	[sflag:s17] =	ssyncadd.s32 $0xFFFFC000  }
0x2f: {  	[hbm4b:s6+s3] =	stream.linear.scatter [tilespmem:s13], [sflag:$0x6], $0x4000, $0x38;
	[tilespmem:$0x1A400] =	vst v63  }
0x30: {  	_ =	swait.ge @!p0 [sflag:s15], $0x4000  }
0x31: {  	s4 =	sshra.s32 s5, $0x2;
	[sflag:s15] =	ssyncset.done @!p0 $0x0  }
0x32: {  	s1 =	sadd.s32 $0x180, s4;
	[sflag:s15] =	ssyncadd.s32 @!p0 $0xFFFFC000  }
0x33: {  	[tilespmem:s18], [sflag:$0x4] =	stream.indirect.gather [hbm4b:s2+s12], $0x80, s1, s12, $0xb8;
	[tilespmem:$0x1A400] =	vst v63  }
0x34: {  	_ =	swait.ge [sflag:s19], $0x4000  }
0x35: {  	[sflag:s19] =	ssyncset.done $0x0  }
0x36: {  	s15 =	simm.s32 @!p0 $0xA;
	[sflag:s19] =	ssyncadd.s32 $0xFFFFC000  }
0x37: {  	[hbm4b:s31+s3] =	stream.linear.scatter [tilespmem:s14], [sflag:$0x7], $0x4000, $0x38;
	[tilespmem:$0x1A400] =	vst v63  }
0x38: {  	_ =	swait.ge @!p0 [sflag:s15], $0x4000  }
0x39: {  	[sflag:s15] =	ssyncset.done @!p0 $0x0  }
0x3a: {  	s10 =	sadd.s32 $0x200, s4;
	[sflag:s15] =	ssyncadd.s32 @!p0 $0xFFFFC000  }
0x3b: {  	[tilespmem:s20], [sflag:$0x5] =	stream.indirect.gather [hbm4b:s2+s12], $0x80, s10, s12, $0xb8;
	[tilespmem:$0x1A400] =	vst v63  }
0x3c: {  	_ =	swait.ge [sflag:s21], $0x4000  }
0x3d: {  	[sflag:s21] =	ssyncset.done $0x0  }
0x3e: {  	[sflag:s21] =	ssyncadd.s32 $0xFFFFC000  }
0x3f: {  	[hbm4b:s9+s3] =	stream.linear.scatter [tilespmem:s16], [sflag:$0x8], $0x4000, $0x38;
	[tilespmem:$0x1A400] =	vst v63  }
0x40: {  	p0 =	seq.s32 s5, $0x18600;
	_ =	swait.ge [sflag:s22], $0x4000  }
0x41: {  	s15 =	sshra.s32 @!p0 s5, $0x2;
	s1 =	simm.s32 @!p0 $0x80;
	[sflag:s22] =	ssyncset.done $0x0  }
0x42: {  	s10 =	simm.s32 @!p0 $0x6400;
	s0 =	sadd.s32 @!p0 $0x280, s15;
	[sflag:s22] =	ssyncadd.s32 $0xFFFFC000  }
0x43: {  	[tilespmem:s10], [sflag:$0x1] =	stream.indirect.gather @!p0 [hbm4b:s2+s1], $0x80, s0, s1, $0xb8;
	[tilespmem:$0x1A400] =	vst v63  }
0x44: {  	_ =	swait.ge [sflag:s23], $0x4000  }
0x45: {  	[sflag:s23] =	ssyncset.done $0x0  }
0x46: {  	[sflag:s23] =	ssyncadd.s32 $0xFFFFC000  }
0x47: {  	[hbm4b:s8+s3] =	stream.linear.scatter [tilespmem:s18], [sflag:$0x9], $0x4000, $0x38;
	[tilespmem:$0x1A400] =	vst v63  }
0x48: {  	_ =	swait.ge [sflag:s24], $0x4000  }
0x49: {  	[sflag:s24] =	ssyncset.done $0x0  }
0x4a: {  	s0 =	sadd.s32 @!p0 $0x300, s15;
	s10 =	simm.s32 @!p0 $0xA400;
	[sflag:s24] =	ssyncadd.s32 $0xFFFFC000  }
0x4b: {  	[tilespmem:s10], [sflag:$0x2] =	stream.indirect.gather @!p0 [hbm4b:s2+s1], $0x80, s0, s1, $0xb8;
	[tilespmem:$0x1A400] =	vst v63  }
0x4c: {  	_ =	swait.ge [sflag:s25], $0x4000  }
0x4d: {  	[sflag:s25] =	ssyncset.done $0x0  }
.Ltmp2:
0x4e: {  	[sflag:s25] =	ssyncadd.s32 $0xFFFFC000;
	(pc) =	sbr.rel @p0 .LBB2_4-.Ltmp2, $4  }
0x4f: {  	[hbm4b:s7+s3] =	stream.linear.scatter [tilespmem:s20], [sflag:$0xA], $0x4000, $0x38;
	[tilespmem:$0x1A400] =	vst v63  }
0x50: {  	_ =	swait.ge [sflag:s26], $0x4000  }
0x51: {  	[sflag:s26] =	ssyncset.done $0x0  }
0x52: {  	[sflag:s26] =	ssyncadd.s32 $0xFFFFC000  }
.Ltmp3:
0x53: {  	(pc) =	sbr.rel .LBB2_2-.Ltmp3, $4  }
0x54: {  	s0 =	sadd.s32 $0x380, s4  }
0x55: {  	s5 =	sadd.s32 $0xA00, s5;
	s6 =	sadd.s32 $0x2800, s6;
	s7 =	sadd.s32 $0x2800, s7  }
0x56: {  	s8 =	sadd.s32 $0x2800, s8;
	s9 =	sadd.s32 $0x2800, s9;
	s31 =	sadd.s32 $0x2800, s31  }
0x57: {  	[tilespmem:s16], [sflag:$0x3] =	stream.indirect.gather [hbm4b:s2+s12], $0x80, s0, s12, $0xb8;
	[tilespmem:$0x1A400] =	vst v63  }
.LBB2_5:
0x58: {  	_ =	sfence.sel $0x180000  }
0x59: {  	[bflag:$0x0] =	sbarrier.arrive $0xFFFF  }
0x5a: {  	_ =	strace $0x90000047  }
0x5b: {  	s0 =	stileid.u32;
	[bflag:$0x2] =	sbarrier.arrive $0xFFFF  }
0x5c: {  	p0 =	sne.s32 s0, $0x0;
	s0 =	rddreg [dreg:$0x3]  }
0x5d: {  	s0 =	sadd.s32 @!p0 $0x100000, s0  }
0x5e: {  	[sflag:s0] =	ssyncadd.tile.s32 @!p0 $0x1;
	_ =	shalt  }
.Lfunc_end2:
_tile_overlayer_lowered:
.L_overlay_start_2:
0x5f: {  	(tag) =	ssettag $0x2  }
0x60: {  	s0 =	rddreg [dreg:$0x0];
	s2 =	stileid.u32  }
0x61: {  	s1 =	rddreg [dreg:$0x1];
	p0 =	sne.s32 s2, $0x0  }
0x62: {  	s3 =	rddreg [dreg:$0x2];
	[bflag:$0x3] =	sbarrier.arrive $0xFFFF;
	s2 =	simm.s32 @!p0 $0x1C0B  }
0x63: {  	[timem:s3], [sflag:s2] =	dma.local @!p0 [hbm:s0], s1  }
0x64: {  	s0 =	simm.s32 @!p0 $0xB  }
0x65: {  	_ =	swait.ge @!p0 [sflag:s0], s1  }
0x66: {  	s1 =	ssub.s32 @!p0 $0x0, s1;
	[sflag:s0] =	ssyncset.done @!p0 $0x0  }
0x67: {  	[sflag:s0] =	ssyncadd.s32 @!p0 s1  }
0x68: {  	[bflag:$0x3] =	sbarrier.arrive $0xFFFF  }
0x69: {  	_ =	shalt  }

</sc_bundles>
